<compile_context>
chip_gen: v7x
topology: tpu7x:2x2x1
jax: 0.10.2.dev20260603
libtpu: 0.0.44.dev20260713+nightly
codegen_flags: <defaults>
</compile_context>

<pallas_src>
import functools

import jax
import jax.numpy as jnp
from jax import lax
from jax.experimental import pallas as pl
from jax.experimental.pallas import tpu as pltpu

try:
    from jax.experimental.pallas import tpu_sc as plsc
    _HAS_SC = True
except ImportError:
    plsc = None
    _HAS_SC = False

EMB = 128
BATCH = 16384
NC = 2
NS = 16
NW = NC * NS
CHUNK = 256
NSLOT = 3



def _sc_gather(rid, pid, R_emb, P_emb, n, offset):
    bpw = n // NW
    nchunk = bpw // CHUNK
    nstep = 2 * nchunk
    nslot = min(NSLOT, nstep)
    mesh = plsc.VectorSubcoreMesh(core_axis_name="c", subcore_axis_name="s")

    @functools.partial(
        pl.kernel,
        mesh=mesh,
        out_type=[
            jax.ShapeDtypeStruct((n, EMB), jnp.float32),
            jax.ShapeDtypeStruct((n, EMB), jnp.float32),
        ],
        scratch_types=[
            pltpu.VMEM((bpw,), jnp.int32),
            pltpu.VMEM((bpw,), jnp.int32),
            pltpu.VMEM((nslot * CHUNK, EMB), jnp.float32),
            pltpu.SemaphoreType.DMA,
            pltpu.SemaphoreType.DMA,
        ],
    )
    def gather_k(rid_hbm, pid_hbm, R_hbm, P_hbm, rev_out, prod_out,
                 ridx_v, pidx_v, rows_v, gsem, osem):
        wid = lax.axis_index("s") * NC + lax.axis_index("c")
        base = wid * bpw

        i1 = pltpu.async_copy(rid_hbm.at[pl.ds(offset + base, bpw)],
                              ridx_v, gsem)
        i2 = pltpu.async_copy(pid_hbm.at[pl.ds(offset + base, bpw)],
                              pidx_v, gsem)
        i1.wait()
        pending_i2 = [i2]

        def fire(k):
            slot = rows_v.at[pl.ds((k % nslot) * CHUNK, CHUNK)]
            if k < nchunk:
                idx = ridx_v.at[pl.ds(k * CHUNK, CHUNK)]
                return pltpu.async_copy(R_hbm.at[idx], slot, gsem)
            if pending_i2:
                pending_i2.pop().wait()
            idx = pidx_v.at[pl.ds((k - nchunk) * CHUNK, CHUNK)]
            return pltpu.async_copy(P_hbm.at[idx], slot, gsem)

        def fire_out(k):
            slot = rows_v.at[pl.ds((k % nslot) * CHUNK, CHUNK)]
            if k < nchunk:
                dst = rev_out.at[pl.ds(base + k * CHUNK, CHUNK)]
            else:
                dst = prod_out.at[pl.ds(base + (k - nchunk) * CHUNK, CHUNK)]
            return pltpu.async_copy(slot, dst, osem)

        gathers = [fire(k) for k in range(nslot)]
        outs = []
        for k in range(nstep):
            if k >= nslot:
                outs[k - nslot].wait()
                gathers.append(fire(k))
            gathers[k].wait()
            outs.append(fire_out(k))
        for k in range(max(0, nstep - nslot), nstep):
            outs[k].wait()

    return gather_k(rid, pid, R_emb, P_emb)



def _mlp_body(rev_ref, prod_ref, w1r_ref, w1p_ref, b1_ref, w2_ref,
              b2_ref, out_ref):
    hT = lax.dot_general(w1r_ref[...], rev_ref[...],
                         (((0,), (1,)), ((), ())),
                         preferred_element_type=jnp.float32)
    hT = hT + lax.dot_general(w1p_ref[...], prod_ref[...],
                              (((0,), (1,)), ((), ())),
                              preferred_element_type=jnp.float32)
    hT = jnp.maximum(hT + b1_ref[...], 0.0)
    out_ref[...] = jnp.sum(hT * w2_ref[...], axis=0) + b2_ref[0, 0]


def _tc_mlp(rev, prod, w1r, w1p, b1c, w2c, b2r, n, block):
    grid = (n // block,)
    return pl.pallas_call(
        _mlp_body,
        grid=grid,
        in_specs=[
            pl.BlockSpec((block, EMB), lambda i: (i, 0)),
            pl.BlockSpec((block, EMB), lambda i: (i, 0)),
            pl.BlockSpec((EMB, 64), lambda i: (0, 0)),
            pl.BlockSpec((EMB, 64), lambda i: (0, 0)),
            pl.BlockSpec((64, 1), lambda i: (0, 0)),
            pl.BlockSpec((64, 1), lambda i: (0, 0)),
            pl.BlockSpec(memory_space=pltpu.SMEM),
        ],
        out_specs=pl.BlockSpec((block,), lambda i: (i,)),
        out_shape=jax.ShapeDtypeStruct((n,), jnp.float32),
    )(rev, prod, w1r, w1p, b1c, w2c, b2r)


SPLITS = (16384,)
MLP_BLOCK = 8192


def kernel(product_id, reviewer_id, R_emb, P_emb, W1, b1, W2, b2):
    rid = reviewer_id.astype(jnp.int32)
    pid = product_id.astype(jnp.int32)
    w1r = W1[:EMB]
    w1p = W1[EMB:]
    b1c = b1.reshape(64, 1)
    b2r = b2.reshape(1, 1)
    gathered = []
    off = 0
    for n in SPLITS:
        gathered.append(_sc_gather(rid, pid, R_emb, P_emb, n, off))
        off += n
    outs = [
        _tc_mlp(rev, prod, w1r, w1p, b1c, W2, b2r, n, MLP_BLOCK)
        for n, (rev, prod) in zip(SPLITS, gathered)
    ]
    return jnp.concatenate(outs)

# --- scband reference (transcript-rebuilt; emitter-appended) ---
"""Pipeline reference for scband-mfneural-network-22110491640554 (READ-ONLY COPY).

The authoritative reference and input builder live on the scoring server;
editing this copy changes nothing except your own understanding.
"""

import jax, jax.numpy as jnp
import numpy as np

NUM_REVIEWERS = 100000
NUM_PRODUCTS = 100000
EMB = 128
BATCH = 16384

def setup_inputs(seed: int = 0) -> dict:
    key = jax.random.key(seed)
    k1, k2, k3, k4, k5, k6, k7, k8 = jax.random.split(key, 8)
    product_id = jax.random.randint(k1, (BATCH,), 0, NUM_PRODUCTS, dtype=jnp.int64) if jax.config.jax_enable_x64 else jax.random.randint(k1, (BATCH,), 0, NUM_PRODUCTS, dtype=jnp.int32)
    reviewer_id = jax.random.randint(k2, (BATCH,), 0, NUM_REVIEWERS, dtype=jnp.int32)
    # xavier_uniform for embeddings: bound = sqrt(6/(fan_in+fan_out))
    b_r = float(np.sqrt(6.0 / (NUM_REVIEWERS + EMB)))
    b_p = float(np.sqrt(6.0 / (NUM_PRODUCTS + EMB)))
    R_emb = jax.random.uniform(k3, (NUM_REVIEWERS, EMB), minval=-b_r, maxval=b_r, dtype=jnp.float32)
    P_emb = jax.random.uniform(k4, (NUM_PRODUCTS, EMB), minval=-b_p, maxval=b_p, dtype=jnp.float32)
    # linear1: in=2*EMB, out=64 (kaiming-uniform-ish init like torch default)
    lim1 = float(1.0 / np.sqrt(2 * EMB))
    W1 = jax.random.uniform(k5, (2 * EMB, 64), minval=-lim1, maxval=lim1, dtype=jnp.float32)
    b1 = jax.random.uniform(k6, (64,), minval=-lim1, maxval=lim1, dtype=jnp.float32)
    lim2 = float(1.0 / np.sqrt(64))
    W2 = jax.random.uniform(k7, (64, 1), minval=-lim2, maxval=lim2, dtype=jnp.float32)
    b2 = jax.random.uniform(k8, (1,), minval=-lim2, maxval=lim2, dtype=jnp.float32)
    return {"product_id": product_id, "reviewer_id": reviewer_id,
            "R_emb": R_emb, "P_emb": P_emb, "W1": W1, "b1": b1, "W2": W2, "b2": b2}


def reference(product_id, reviewer_id, R_emb, P_emb, W1, b1, W2, b2):
    rev = jnp.take(R_emb, reviewer_id, axis=0)
    prod = jnp.take(P_emb, product_id, axis=0)
    emb_out = jnp.concatenate([rev, prod], axis=1)
    out1 = jax.nn.relu(emb_out @ W1 + b1)
    out2 = (out1 @ W2 + b2).squeeze(-1)
    return out2

if __name__ == "__main__":
    import jax
    _d = setup_inputs()
    print(jax.jit(kernel)(*tuple(_d.values())))

</pallas_src>

<mosaic_0001>
#map = affine_map<(d0, d1) -> (0)>
#map1 = affine_map<(d0, d1) -> (0, 0)>
module attributes {stable_mosaic.version = 14 : i64} {
  func.func @gather_k(%arg0: i32, %arg1: i32, %arg2: memref<16384xi32, #tpu.memory_space<hbm>>, %arg3: memref<16384xi32, #tpu.memory_space<hbm>>, %arg4: memref<100000x128xf32, #tpu.memory_space<hbm>>, %arg5: memref<100000x128xf32, #tpu.memory_space<hbm>>, %arg6: memref<16384x128xf32, #tpu.memory_space<hbm>>, %arg7: memref<16384x128xf32, #tpu.memory_space<hbm>>, %arg8: memref<512xi32, #tpu.memory_space<vmem>>, %arg9: memref<512xi32, #tpu.memory_space<vmem>>, %arg10: memref<768x128xf32, #tpu.memory_space<vmem>>, %arg11: memref<!tpu.dma_semaphore, #tpu.memory_space<semaphore_mem>>, %arg12: memref<!tpu.dma_semaphore, #tpu.memory_space<semaphore_mem>>) attributes {dimension_semantics = [#tpu.dimension_semantics<core_parallel>, #tpu.dimension_semantics<subcore_parallel>], iteration_bounds = array<i64: 2, 16>, scalar_prefetch = 0 : i64, scratch_operands = 5 : i64, tpu.core_type = #tpu.core_type<sc_vector_subcore>, window_params = [{transform_indices = #map}, {transform_indices = #map}, {transform_indices = #map1}, {transform_indices = #map1}, {transform_indices = #map1}, {transform_indices = #map1}]} {
    %mul3A = arith.constant 2 : i32
    %mul3A_0 = arith.muli %arg1, %mul3A : i32
    %add3A = arith.addi %mul3A_0, %arg0 : i32
    %mul3A_1 = arith.constant 512 : i32
    %mul3A_2 = arith.muli %add3A, %mul3A_1 : i32
    %add3A_3 = arith.constant 0 : i32
    %add3A_4 = arith.addi %add3A_3, %mul3A_2 : i32
    %dma_start3A = tpu.memref_slice %arg2[%add3A_4] : memref<16384xi32, #tpu.memory_space<hbm>> -> memref<512xi32, #tpu.memory_space<hbm>>
    %dma_start3A_5 = tpu.memref_slice %arg2[%add3A_4] : memref<16384xi32, #tpu.memory_space<hbm>> -> memref<512xi32, #tpu.memory_space<hbm>>
    tpu.enqueue_dma source(%dma_start3A_5 : memref<512xi32, #tpu.memory_space<hbm>>) target(%arg8 : memref<512xi32, #tpu.memory_space<vmem>>) target_semaphore(%arg11 : memref<!tpu.dma_semaphore, #tpu.memory_space<semaphore_mem>>)
    %add3A_6 = arith.constant 0 : i32
    %add3A_7 = arith.addi %add3A_6, %mul3A_2 : i32
    %dma_start3A_8 = tpu.memref_slice %arg3[%add3A_7] : memref<16384xi32, #tpu.memory_space<hbm>> -> memref<512xi32, #tpu.memory_space<hbm>>
    %dma_start3A_9 = tpu.memref_slice %arg3[%add3A_7] : memref<16384xi32, #tpu.memory_space<hbm>> -> memref<512xi32, #tpu.memory_space<hbm>>
    tpu.enqueue_dma source(%dma_start3A_9 : memref<512xi32, #tpu.memory_space<hbm>>) target(%arg9 : memref<512xi32, #tpu.memory_space<vmem>>) target_semaphore(%arg11 : memref<!tpu.dma_semaphore, #tpu.memory_space<semaphore_mem>>)
    %dma_wait3A = tpu.memref_slice %arg2[%add3A_4] : memref<16384xi32, #tpu.memory_space<hbm>> -> memref<512xi32, #tpu.memory_space<hbm>>
    %dma_wait3A_10 = tpu.memref_slice %arg2[%add3A_4] : memref<16384xi32, #tpu.memory_space<hbm>> -> memref<512xi32, #tpu.memory_space<hbm>>
    tpu.wait_dma2 semaphore(%arg11 : memref<!tpu.dma_semaphore, #tpu.memory_space<semaphore_mem>>) src(%dma_wait3A_10 : memref<512xi32, #tpu.memory_space<hbm>>) dst(%arg8 : memref<512xi32, #tpu.memory_space<vmem>>)
    %dma_start3A_11 = arith.constant 0 : i32
    %dma_start3A_12 = arith.constant 0 : i32
    %dma_start3A_13 = tpu.memref_slice %arg10[%dma_start3A_11, %dma_start3A_12] : memref<768x128xf32, #tpu.memory_space<vmem>> -> memref<256x128xf32, #tpu.memory_space<vmem>>
    %dma_start3A_14 = arith.constant 0 : i32
    %dma_start3A_15 = tpu.memref_slice %arg8[%dma_start3A_14] : memref<512xi32, #tpu.memory_space<vmem>> -> memref<256xi32, #tpu.memory_space<vmem>>
    %dma_start3A_16 = arith.constant 0 : i32
    %dma_start3A_17 = arith.constant 0 : i32
    %dma_start3A_18 = tpu.memref_slice %arg4[%dma_start3A_16, %dma_start3A_17] : memref<100000x128xf32, #tpu.memory_space<hbm>> -> memref<100000x128xf32, #tpu.memory_space<hbm>>
    tpu.enqueue_indirect_dma source(%dma_start3A_18 : memref<100000x128xf32, #tpu.memory_space<hbm>>) target(%dma_start3A_13 : memref<256x128xf32, #tpu.memory_space<vmem>>) offsets(%dma_start3A_15 : memref<256xi32, #tpu.memory_space<vmem>>) semaphore(%arg11 : memref<!tpu.dma_semaphore, #tpu.memory_space<semaphore_mem>>)
    %dma_start3A_19 = arith.constant 256 : i32
    %dma_start3A_20 = arith.constant 0 : i32
    %dma_start3A_21 = tpu.memref_slice %arg10[%dma_start3A_19, %dma_start3A_20] : memref<768x128xf32, #tpu.memory_space<vmem>> -> memref<256x128xf32, #tpu.memory_space<vmem>>
    %dma_start3A_22 = arith.constant 256 : i32
    %dma_start3A_23 = tpu.memref_slice %arg8[%dma_start3A_22] : memref<512xi32, #tpu.memory_space<vmem>> -> memref<256xi32, #tpu.memory_space<vmem>>
    %dma_start3A_24 = arith.constant 0 : i32
    %dma_start3A_25 = arith.constant 0 : i32
    %dma_start3A_26 = tpu.memref_slice %arg4[%dma_start3A_24, %dma_start3A_25] : memref<100000x128xf32, #tpu.memory_space<hbm>> -> memref<100000x128xf32, #tpu.memory_space<hbm>>
    tpu.enqueue_indirect_dma source(%dma_start3A_26 : memref<100000x128xf32, #tpu.memory_space<hbm>>) target(%dma_start3A_21 : memref<256x128xf32, #tpu.memory_space<vmem>>) offsets(%dma_start3A_23 : memref<256xi32, #tpu.memory_space<vmem>>) semaphore(%arg11 : memref<!tpu.dma_semaphore, #tpu.memory_space<semaphore_mem>>)
    %dma_wait3A_27 = tpu.memref_slice %arg3[%add3A_7] : memref<16384xi32, #tpu.memory_space<hbm>> -> memref<512xi32, #tpu.memory_space<hbm>>
    %dma_wait3A_28 = tpu.memref_slice %arg3[%add3A_7] : memref<16384xi32, #tpu.memory_space<hbm>> -> memref<512xi32, #tpu.memory_space<hbm>>
    tpu.wait_dma2 semaphore(%arg11 : memref<!tpu.dma_semaphore, #tpu.memory_space<semaphore_mem>>) src(%dma_wait3A_28 : memref<512xi32, #tpu.memory_space<hbm>>) dst(%arg9 : memref<512xi32, #tpu.memory_space<vmem>>)
    %dma_start3A_29 = arith.constant 512 : i32
    %dma_start3A_30 = arith.constant 0 : i32
    %dma_start3A_31 = tpu.memref_slice %arg10[%dma_start3A_29, %dma_start3A_30] : memref<768x128xf32, #tpu.memory_space<vmem>> -> memref<256x128xf32, #tpu.memory_space<vmem>>
    %dma_start3A_32 = arith.constant 0 : i32
    %dma_start3A_33 = tpu.memref_slice %arg9[%dma_start3A_32] : memref<512xi32, #tpu.memory_space<vmem>> -> memref<256xi32, #tpu.memory_space<vmem>>
    %dma_start3A_34 = arith.constant 0 : i32
    %dma_start3A_35 = arith.constant 0 : i32
    %dma_start3A_36 = tpu.memref_slice %arg5[%dma_start3A_34, %dma_start3A_35] : memref<100000x128xf32, #tpu.memory_space<hbm>> -> memref<100000x128xf32, #tpu.memory_space<hbm>>
    tpu.enqueue_indirect_dma source(%dma_start3A_36 : memref<100000x128xf32, #tpu.memory_space<hbm>>) target(%dma_start3A_31 : memref<256x128xf32, #tpu.memory_space<vmem>>) offsets(%dma_start3A_33 : memref<256xi32, #tpu.memory_space<vmem>>) semaphore(%arg11 : memref<!tpu.dma_semaphore, #tpu.memory_space<semaphore_mem>>)
    %dma_wait3A_37 = arith.constant 0 : i32
    %dma_wait3A_38 = arith.constant 0 : i32
    %dma_wait3A_39 = tpu.memref_slice %arg10[%dma_wait3A_37, %dma_wait3A_38] : memref<768x128xf32, #tpu.memory_space<vmem>> -> memref<256x128xf32, #tpu.memory_space<vmem>>
    %dma_wait3A_40 = arith.constant 0 : i32
    %dma_wait3A_41 = tpu.memref_slice %arg8[%dma_wait3A_40] : memref<512xi32, #tpu.memory_space<vmem>> -> memref<256xi32, #tpu.memory_space<vmem>>
    %dma_wait3A_42 = arith.constant 0 : i32
    %dma_wait3A_43 = arith.constant 0 : i32
    %dma_wait3A_44 = tpu.memref_slice %arg4[%dma_wait3A_42, %dma_wait3A_43] : memref<100000x128xf32, #tpu.memory_space<hbm>> -> memref<100000x128xf32, #tpu.memory_space<hbm>>
    tpu.wait_indirect_dma semaphore(%arg11 : memref<!tpu.dma_semaphore, #tpu.memory_space<semaphore_mem>>) src(%dma_wait3A_44 : memref<100000x128xf32, #tpu.memory_space<hbm>>) dst(%dma_wait3A_39 : memref<256x128xf32, #tpu.memory_space<vmem>>)
    %add3A_45 = arith.constant 0 : i32
    %add3A_46 = arith.addi %mul3A_2, %add3A_45 : i32
    %dma_start3A_47 = arith.constant 0 : i32
    %dma_start3A_48 = arith.constant 0 : i32
    %dma_start3A_49 = tpu.memref_slice %arg10[%dma_start3A_47, %dma_start3A_48] : memref<768x128xf32, #tpu.memory_space<vmem>> -> memref<256x128xf32, #tpu.memory_space<vmem>>
    %dma_start3A_50 = arith.constant 0 : i32
    %dma_start3A_51 = tpu.memref_slice %arg6[%add3A_46, %dma_start3A_50] : memref<16384x128xf32, #tpu.memory_space<hbm>> -> memref<256x128xf32, #tpu.memory_space<hbm>>
    %dma_start3A_52 = arith.constant 0 : i32
    %dma_start3A_53 = tpu.memref_slice %arg6[%add3A_46, %dma_start3A_52] : memref<16384x128xf32, #tpu.memory_space<hbm>> -> memref<256x128xf32, #tpu.memory_space<hbm>>
    %dma_start3A_54 = arith.constant 0 : i32
    %dma_start3A_55 = arith.constant 0 : i32
    %dma_start3A_56 = tpu.memref_slice %arg10[%dma_start3A_54, %dma_start3A_55] : memref<768x128xf32, #tpu.memory_space<vmem>> -> memref<256x128xf32, #tpu.memory_space<vmem>>
    tpu.enqueue_dma source(%dma_start3A_56 : memref<256x128xf32, #tpu.memory_space<vmem>>) target(%dma_start3A_53 : memref<256x128xf32, #tpu.memory_space<hbm>>) target_semaphore(%arg12 : memref<!tpu.dma_semaphore, #tpu.memory_space<semaphore_mem>>)
    %dma_wait3A_57 = arith.constant 256 : i32
    %dma_wait3A_58 = arith.constant 0 : i32
    %dma_wait3A_59 = tpu.memref_slice %arg10[%dma_wait3A_57, %dma_wait3A_58] : memref<768x128xf32, #tpu.memory_space<vmem>> -> memref<256x128xf32, #tpu.memory_space<vmem>>
    %dma_wait3A_60 = arith.constant 256 : i32
    %dma_wait3A_61 = tpu.memref_slice %arg8[%dma_wait3A_60] : memref<512xi32, #tpu.memory_space<vmem>> -> memref<256xi32, #tpu.memory_space<vmem>>
    %dma_wait3A_62 = arith.constant 0 : i32
    %dma_wait3A_63 = arith.constant 0 : i32
    %dma_wait3A_64 = tpu.memref_slice %arg4[%dma_wait3A_62, %dma_wait3A_63] : memref<100000x128xf32, #tpu.memory_space<hbm>> -> memref<100000x128xf32, #tpu.memory_space<hbm>>
    tpu.wait_indirect_dma semaphore(%arg11 : memref<!tpu.dma_semaphore, #tpu.memory_space<semaphore_mem>>) src(%dma_wait3A_64 : memref<100000x128xf32, #tpu.memory_space<hbm>>) dst(%dma_wait3A_59 : memref<256x128xf32, #tpu.memory_space<vmem>>)
    %add3A_65 = arith.constant 256 : i32
    %add3A_66 = arith.addi %mul3A_2, %add3A_65 : i32
    %dma_start3A_67 = arith.constant 256 : i32
    %dma_start3A_68 = arith.constant 0 : i32
    %dma_start3A_69 = tpu.memref_slice %arg10[%dma_start3A_67, %dma_start3A_68] : memref<768x128xf32, #tpu.memory_space<vmem>> -> memref<256x128xf32, #tpu.memory_space<vmem>>
    %dma_start3A_70 = arith.constant 0 : i32
    %dma_start3A_71 = tpu.memref_slice %arg6[%add3A_66, %dma_start3A_70] : memref<16384x128xf32, #tpu.memory_space<hbm>> -> memref<256x128xf32, #tpu.memory_space<hbm>>
    %dma_start3A_72 = arith.constant 0 : i32
    %dma_start3A_73 = tpu.memref_slice %arg6[%add3A_66, %dma_start3A_72] : memref<16384x128xf32, #tpu.memory_space<hbm>> -> memref<256x128xf32, #tpu.memory_space<hbm>>
    %dma_start3A_74 = arith.constant 256 : i32
    %dma_start3A_75 = arith.constant 0 : i32
    %dma_start3A_76 = tpu.memref_slice %arg10[%dma_start3A_74, %dma_start3A_75] : memref<768x128xf32, #tpu.memory_space<vmem>> -> memref<256x128xf32, #tpu.memory_space<vmem>>
    tpu.enqueue_dma source(%dma_start3A_76 : memref<256x128xf32, #tpu.memory_space<vmem>>) target(%dma_start3A_73 : memref<256x128xf32, #tpu.memory_space<hbm>>) target_semaphore(%arg12 : memref<!tpu.dma_semaphore, #tpu.memory_space<semaphore_mem>>)
    %dma_wait3A_77 = arith.constant 512 : i32
    %dma_wait3A_78 = arith.constant 0 : i32
    %dma_wait3A_79 = tpu.memref_slice %arg10[%dma_wait3A_77, %dma_wait3A_78] : memref<768x128xf32, #tpu.memory_space<vmem>> -> memref<256x128xf32, #tpu.memory_space<vmem>>
    %dma_wait3A_80 = arith.constant 0 : i32
    %dma_wait3A_81 = tpu.memref_slice %arg9[%dma_wait3A_80] : memref<512xi32, #tpu.memory_space<vmem>> -> memref<256xi32, #tpu.memory_space<vmem>>
    %dma_wait3A_82 = arith.constant 0 : i32
    %dma_wait3A_83 = arith.constant 0 : i32
    %dma_wait3A_84 = tpu.memref_slice %arg5[%dma_wait3A_82, %dma_wait3A_83] : memref<100000x128xf32, #tpu.memory_space<hbm>> -> memref<100000x128xf32, #tpu.memory_space<hbm>>
    tpu.wait_indirect_dma semaphore(%arg11 : memref<!tpu.dma_semaphore, #tpu.memory_space<semaphore_mem>>) src(%dma_wait3A_84 : memref<100000x128xf32, #tpu.memory_space<hbm>>) dst(%dma_wait3A_79 : memref<256x128xf32, #tpu.memory_space<vmem>>)
    %add3A_85 = arith.constant 0 : i32
    %add3A_86 = arith.addi %mul3A_2, %add3A_85 : i32
    %dma_start3A_87 = arith.constant 512 : i32
    %dma_start3A_88 = arith.constant 0 : i32
    %dma_start3A_89 = tpu.memref_slice %arg10[%dma_start3A_87, %dma_start3A_88] : memref<768x128xf32, #tpu.memory_space<vmem>> -> memref<256x128xf32, #tpu.memory_space<vmem>>
    %dma_start3A_90 = arith.constant 0 : i32
    %dma_start3A_91 = tpu.memref_slice %arg7[%add3A_86, %dma_start3A_90] : memref<16384x128xf32, #tpu.memory_space<hbm>> -> memref<256x128xf32, #tpu.memory_space<hbm>>
    %dma_start3A_92 = arith.constant 0 : i32
    %dma_start3A_93 = tpu.memref_slice %arg7[%add3A_86, %dma_start3A_92] : memref<16384x128xf32, #tpu.memory_space<hbm>> -> memref<256x128xf32, #tpu.memory_space<hbm>>
    %dma_start3A_94 = arith.constant 512 : i32
    %dma_start3A_95 = arith.constant 0 : i32
    %dma_start3A_96 = tpu.memref_slice %arg10[%dma_start3A_94, %dma_start3A_95] : memref<768x128xf32, #tpu.memory_space<vmem>> -> memref<256x128xf32, #tpu.memory_space<vmem>>
    tpu.enqueue_dma source(%dma_start3A_96 : memref<256x128xf32, #tpu.memory_space<vmem>>) target(%dma_start3A_93 : memref<256x128xf32, #tpu.memory_space<hbm>>) target_semaphore(%arg12 : memref<!tpu.dma_semaphore, #tpu.memory_space<semaphore_mem>>)
    %dma_wait3A_97 = arith.constant 0 : i32
    %dma_wait3A_98 = arith.constant 0 : i32
    %dma_wait3A_99 = tpu.memref_slice %arg10[%dma_wait3A_97, %dma_wait3A_98] : memref<768x128xf32, #tpu.memory_space<vmem>> -> memref<256x128xf32, #tpu.memory_space<vmem>>
    %dma_wait3A_100 = arith.constant 0 : i32
    %dma_wait3A_101 = tpu.memref_slice %arg6[%add3A_46, %dma_wait3A_100] : memref<16384x128xf32, #tpu.memory_space<hbm>> -> memref<256x128xf32, #tpu.memory_space<hbm>>
    %dma_wait3A_102 = arith.constant 0 : i32
    %dma_wait3A_103 = tpu.memref_slice %arg6[%add3A_46, %dma_wait3A_102] : memref<16384x128xf32, #tpu.memory_space<hbm>> -> memref<256x128xf32, #tpu.memory_space<hbm>>
    %dma_wait3A_104 = arith.constant 0 : i32
    %dma_wait3A_105 = arith.constant 0 : i32
    %dma_wait3A_106 = tpu.memref_slice %arg10[%dma_wait3A_104, %dma_wait3A_105] : memref<768x128xf32, #tpu.memory_space<vmem>> -> memref<256x128xf32, #tpu.memory_space<vmem>>
    tpu.wait_dma2 semaphore(%arg12 : memref<!tpu.dma_semaphore, #tpu.memory_space<semaphore_mem>>) src(%dma_wait3A_106 : memref<256x128xf32, #tpu.memory_space<vmem>>) dst(%dma_wait3A_103 : memref<256x128xf32, #tpu.memory_space<hbm>>)
    %dma_start3A_107 = arith.constant 0 : i32
    %dma_start3A_108 = arith.constant 0 : i32
    %dma_start3A_109 = tpu.memref_slice %arg10[%dma_start3A_107, %dma_start3A_108] : memref<768x128xf32, #tpu.memory_space<vmem>> -> memref<256x128xf32, #tpu.memory_space<vmem>>
    %dma_start3A_110 = arith.constant 256 : i32
    %dma_start3A_111 = tpu.memref_slice %arg9[%dma_start3A_110] : memref<512xi32, #tpu.memory_space<vmem>> -> memref<256xi32, #tpu.memory_space<vmem>>
    %dma_start3A_112 = arith.constant 0 : i32
    %dma_start3A_113 = arith.constant 0 : i32
    %dma_start3A_114 = tpu.memref_slice %arg5[%dma_start3A_112, %dma_start3A_113] : memref<100000x128xf32, #tpu.memory_space<hbm>> -> memref<100000x128xf32, #tpu.memory_space<hbm>>
    tpu.enqueue_indirect_dma source(%dma_start3A_114 : memref<100000x128xf32, #tpu.memory_space<hbm>>) target(%dma_start3A_109 : memref<256x128xf32, #tpu.memory_space<vmem>>) offsets(%dma_start3A_111 : memref<256xi32, #tpu.memory_space<vmem>>) semaphore(%arg11 : memref<!tpu.dma_semaphore, #tpu.memory_space<semaphore_mem>>)
    %dma_wait3A_115 = arith.constant 0 : i32
    %dma_wait3A_116 = arith.constant 0 : i32
    %dma_wait3A_117 = tpu.memref_slice %arg10[%dma_wait3A_115, %dma_wait3A_116] : memref<768x128xf32, #tpu.memory_space<vmem>> -> memref<256x128xf32, #tpu.memory_space<vmem>>
    %dma_wait3A_118 = arith.constant 256 : i32
    %dma_wait3A_119 = tpu.memref_slice %arg9[%dma_wait3A_118] : memref<512xi32, #tpu.memory_space<vmem>> -> memref<256xi32, #tpu.memory_space<vmem>>
    %dma_wait3A_120 = arith.constant 0 : i32
    %dma_wait3A_121 = arith.constant 0 : i32
    %dma_wait3A_122 = tpu.memref_slice %arg5[%dma_wait3A_120, %dma_wait3A_121] : memref<100000x128xf32, #tpu.memory_space<hbm>> -> memref<100000x128xf32, #tpu.memory_space<hbm>>
    tpu.wait_indirect_dma semaphore(%arg11 : memref<!tpu.dma_semaphore, #tpu.memory_space<semaphore_mem>>) src(%dma_wait3A_122 : memref<100000x128xf32, #tpu.memory_space<hbm>>) dst(%dma_wait3A_117 : memref<256x128xf32, #tpu.memory_space<vmem>>)
    %add3A_123 = arith.constant 256 : i32
    %add3A_124 = arith.addi %mul3A_2, %add3A_123 : i32
    %dma_start3A_125 = arith.constant 0 : i32
    %dma_start3A_126 = arith.constant 0 : i32
    %dma_start3A_127 = tpu.memref_slice %arg10[%dma_start3A_125, %dma_start3A_126] : memref<768x128xf32, #tpu.memory_space<vmem>> -> memref<256x128xf32, #tpu.memory_space<vmem>>
    %dma_start3A_128 = arith.constant 0 : i32
    %dma_start3A_129 = tpu.memref_slice %arg7[%add3A_124, %dma_start3A_128] : memref<16384x128xf32, #tpu.memory_space<hbm>> -> memref<256x128xf32, #tpu.memory_space<hbm>>
    %dma_start3A_130 = arith.constant 0 : i32
    %dma_start3A_131 = tpu.memref_slice %arg7[%add3A_124, %dma_start3A_130] : memref<16384x128xf32, #tpu.memory_space<hbm>> -> memref<256x128xf32, #tpu.memory_space<hbm>>
    %dma_start3A_132 = arith.constant 0 : i32
    %dma_start3A_133 = arith.constant 0 : i32
    %dma_start3A_134 = tpu.memref_slice %arg10[%dma_start3A_132, %dma_start3A_133] : memref<768x128xf32, #tpu.memory_space<vmem>> -> memref<256x128xf32, #tpu.memory_space<vmem>>
    tpu.enqueue_dma source(%dma_start3A_134 : memref<256x128xf32, #tpu.memory_space<vmem>>) target(%dma_start3A_131 : memref<256x128xf32, #tpu.memory_space<hbm>>) target_semaphore(%arg12 : memref<!tpu.dma_semaphore, #tpu.memory_space<semaphore_mem>>)
    %dma_wait3A_135 = arith.constant 256 : i32
    %dma_wait3A_136 = arith.constant 0 : i32
    %dma_wait3A_137 = tpu.memref_slice %arg10[%dma_wait3A_135, %dma_wait3A_136] : memref<768x128xf32, #tpu.memory_space<vmem>> -> memref<256x128xf32, #tpu.memory_space<vmem>>
    %dma_wait3A_138 = arith.constant 0 : i32
    %dma_wait3A_139 = tpu.memref_slice %arg6[%add3A_66, %dma_wait3A_138] : memref<16384x128xf32, #tpu.memory_space<hbm>> -> memref<256x128xf32, #tpu.memory_space<hbm>>
    %dma_wait3A_140 = arith.constant 0 : i32
    %dma_wait3A_141 = tpu.memref_slice %arg6[%add3A_66, %dma_wait3A_140] : memref<16384x128xf32, #tpu.memory_space<hbm>> -> memref<256x128xf32, #tpu.memory_space<hbm>>
    %dma_wait3A_142 = arith.constant 256 : i32
    %dma_wait3A_143 = arith.constant 0 : i32
    %dma_wait3A_144 = tpu.memref_slice %arg10[%dma_wait3A_142, %dma_wait3A_143] : memref<768x128xf32, #tpu.memory_space<vmem>> -> memref<256x128xf32, #tpu.memory_space<vmem>>
    tpu.wait_dma2 semaphore(%arg12 : memref<!tpu.dma_semaphore, #tpu.memory_space<semaphore_mem>>) src(%dma_wait3A_144 : memref<256x128xf32, #tpu.memory_space<vmem>>) dst(%dma_wait3A_141 : memref<256x128xf32, #tpu.memory_space<hbm>>)
    %dma_wait3A_145 = arith.constant 512 : i32
    %dma_wait3A_146 = arith.constant 0 : i32
    %dma_wait3A_147 = tpu.memref_slice %arg10[%dma_wait3A_145, %dma_wait3A_146] : memref<768x128xf32, #tpu.memory_space<vmem>> -> memref<256x128xf32, #tpu.memory_space<vmem>>
    %dma_wait3A_148 = arith.constant 0 : i32
    %dma_wait3A_149 = tpu.memref_slice %arg7[%add3A_86, %dma_wait3A_148] : memref<16384x128xf32, #tpu.memory_space<hbm>> -> memref<256x128xf32, #tpu.memory_space<hbm>>
    %dma_wait3A_150 = arith.constant 0 : i32
    %dma_wait3A_151 = tpu.memref_slice %arg7[%add3A_86, %dma_wait3A_150] : memref<16384x128xf32, #tpu.memory_space<hbm>> -> memref<256x128xf32, #tpu.memory_space<hbm>>
    %dma_wait3A_152 = arith.constant 512 : i32
    %dma_wait3A_153 = arith.constant 0 : i32
    %dma_wait3A_154 = tpu.memref_slice %arg10[%dma_wait3A_152, %dma_wait3A_153] : memref<768x128xf32, #tpu.memory_space<vmem>> -> memref<256x128xf32, #tpu.memory_space<vmem>>
    tpu.wait_dma2 semaphore(%arg12 : memref<!tpu.dma_semaphore, #tpu.memory_space<semaphore_mem>>) src(%dma_wait3A_154 : memref<256x128xf32, #tpu.memory_space<vmem>>) dst(%dma_wait3A_151 : memref<256x128xf32, #tpu.memory_space<hbm>>)
    %dma_wait3A_155 = arith.constant 0 : i32
    %dma_wait3A_156 = arith.constant 0 : i32
    %dma_wait3A_157 = tpu.memref_slice %arg10[%dma_wait3A_155, %dma_wait3A_156] : memref<768x128xf32, #tpu.memory_space<vmem>> -> memref<256x128xf32, #tpu.memory_space<vmem>>
    %dma_wait3A_158 = arith.constant 0 : i32
    %dma_wait3A_159 = tpu.memref_slice %arg7[%add3A_124, %dma_wait3A_158] : memref<16384x128xf32, #tpu.memory_space<hbm>> -> memref<256x128xf32, #tpu.memory_space<hbm>>
    %dma_wait3A_160 = arith.constant 0 : i32
    %dma_wait3A_161 = tpu.memref_slice %arg7[%add3A_124, %dma_wait3A_160] : memref<16384x128xf32, #tpu.memory_space<hbm>> -> memref<256x128xf32, #tpu.memory_space<hbm>>
    %dma_wait3A_162 = arith.constant 0 : i32
    %dma_wait3A_163 = arith.constant 0 : i32
    %dma_wait3A_164 = tpu.memref_slice %arg10[%dma_wait3A_162, %dma_wait3A_163] : memref<768x128xf32, #tpu.memory_space<vmem>> -> memref<256x128xf32, #tpu.memory_space<vmem>>
    tpu.wait_dma2 semaphore(%arg12 : memref<!tpu.dma_semaphore, #tpu.memory_space<semaphore_mem>>) src(%dma_wait3A_164 : memref<256x128xf32, #tpu.memory_space<vmem>>) dst(%dma_wait3A_161 : memref<256x128xf32, #tpu.memory_space<hbm>>)
    return
  }
}

module attributes {stable_mosaic.version = 14 : i64} {
  func.func @_mlp_body(%arg0: i32, %arg1: memref<8192x128xf32, #tpu.memory_space<vmem>>, %arg2: memref<8192x128xf32, #tpu.memory_space<vmem>>, %arg3: memref<128x64xf32, #tpu.memory_space<vmem>>, %arg4: memref<128x64xf32, #tpu.memory_space<vmem>>, %arg5: memref<64x1xf32, #tpu.memory_space<vmem>>, %arg6: memref<64x1xf32, #tpu.memory_space<vmem>>, %arg7: memref<1x1xf32, #tpu.memory_space<smem>>, %arg8: memref<8192xf32, #tpu.memory_space<vmem>>) attributes {dimension_semantics = [#tpu.dimension_semantics<arbitrary>], iteration_bounds = array<i64: 2>, scalar_prefetch = 0 : i64, scratch_operands = 0 : i64, tpu.core_type = #tpu.core_type<tc>, window_params = [{transform_indices = @transform_0, window_bounds = array<i64: 8192, 128>}, {transform_indices = @transform_1, window_bounds = array<i64: 8192, 128>}, {pipeline_mode = #tpu.pipeline_mode<synchronous>, transform_indices = @transform_2, window_bounds = array<i64: 128, 64>}, {pipeline_mode = #tpu.pipeline_mode<synchronous>, transform_indices = @transform_3, window_bounds = array<i64: 128, 64>}, {pipeline_mode = #tpu.pipeline_mode<synchronous>, transform_indices = @transform_4, window_bounds = array<i64: 64, 1>}, {pipeline_mode = #tpu.pipeline_mode<synchronous>, transform_indices = @transform_5, window_bounds = array<i64: 64, 1>}, {transform_indices = @transform_6, window_bounds = array<i64: 1, 1>}, {transform_indices = @transform_7, window_bounds = array<i64: 8192>}]} {
    %get3A = arith.constant 0 : index
    %get3A_0 = arith.constant 0 : index
    %get3A_1 = vector.load %arg3[%get3A, %get3A_0] : memref<128x64xf32, #tpu.memory_space<vmem>>, vector<128x64xf32>
    %get3A_2 = arith.constant 0 : index
    %get3A_3 = arith.constant 0 : index
    %get3A_4 = vector.load %arg1[%get3A_2, %get3A_3] : memref<8192x128xf32, #tpu.memory_space<vmem>>, vector<8192x128xf32>
    %dot_general3A = arith.constant dense<0.000000e+00> : vector<64x8192xf32>
    %dot_general3A_5 = tpu.matmul %get3A_1, %get3A_4, %dot_general3A {dimension_numbers = #tpu.dot_dimension_numbers<[0], [1], [1], [0], [0, 1, 1, 0], [], []>, transpose_lhs_hint = false} : vector<128x64xf32>, vector<8192x128xf32>, vector<64x8192xf32> -> vector<64x8192xf32>
    %get3A_6 = arith.constant 0 : index
    %get3A_7 = arith.constant 0 : index
    %get3A_8 = vector.load %arg4[%get3A_6, %get3A_7] : memref<128x64xf32, #tpu.memory_space<vmem>>, vector<128x64xf32>
    %get3A_9 = arith.constant 0 : index
    %get3A_10 = arith.constant 0 : index
    %get3A_11 = vector.load %arg2[%get3A_9, %get3A_10] : memref<8192x128xf32, #tpu.memory_space<vmem>>, vector<8192x128xf32>
    %dot_general3A_12 = arith.constant dense<0.000000e+00> : vector<64x8192xf32>
    %dot_general3A_13 = tpu.matmul %get3A_8, %get3A_11, %dot_general3A_12 {dimension_numbers = #tpu.dot_dimension_numbers<[0], [1], [1], [0], [0, 1, 1, 0], [], []>, transpose_lhs_hint = false} : vector<128x64xf32>, vector<8192x128xf32>, vector<64x8192xf32> -> vector<64x8192xf32>
    %add3A = arith.addf %dot_general3A_5, %dot_general3A_13 : vector<64x8192xf32>
    %get3A_14 = arith.constant 0 : index
    %get3A_15 = arith.constant 0 : index
    %get3A_16 = vector.load %arg5[%get3A_14, %get3A_15] : memref<64x1xf32, #tpu.memory_space<vmem>>, vector<64x1xf32>
    %add3A_17 = vector.broadcast %get3A_16 : vector<64x1xf32> to vector<64x8192xf32>
    %add3A_18 = arith.addf %add3A, %add3A_17 : vector<64x8192xf32>
    %max3A = arith.constant 0.000000e+00 : f32
    %max3A_19 = vector.broadcast %max3A : f32 to vector<64x8192xf32>
    %max3A_20 = arith.maximumf %add3A_18, %max3A_19 : vector<64x8192xf32>
    %get3A_21 = arith.constant 0 : index
    %get3A_22 = arith.constant 0 : index
    %get3A_23 = vector.load %arg6[%get3A_21, %get3A_22] : memref<64x1xf32, #tpu.memory_space<vmem>>, vector<64x1xf32>
    %mul3A = vector.broadcast %get3A_23 : vector<64x1xf32> to vector<64x8192xf32>
    %mul3A_24 = arith.mulf %max3A_20, %mul3A : vector<64x8192xf32>
    %reduce_sum3A = arith.constant dense<0.000000e+00> : vector<8192xf32>
    %reduce_sum3A_25 = vector.multi_reduction <add>, %mul3A_24, %reduce_sum3A [0] : vector<64x8192xf32> to vector<8192xf32>
    %get3A_26 = arith.constant 0 : index
    %get3A_27 = arith.constant 0 : index
    %get3A_28 = memref.load %arg7[%get3A_26, %get3A_27] : memref<1x1xf32, #tpu.memory_space<smem>>
    %add3A_29 = vector.broadcast %get3A_28 : f32 to vector<8192xf32>
    %add3A_30 = arith.addf %reduce_sum3A_25, %add3A_29 : vector<8192xf32>
    %swap3A = arith.constant 0 : index
    %swap3A_31 = vector.load %arg8[%swap3A] : memref<8192xf32, #tpu.memory_space<vmem>>, vector<8192xf32>
    tpu.vector_store %arg8[%swap3A], %add3A_30 {strides = array<i32>} : memref<8192xf32, #tpu.memory_space<vmem>>, vector<8192xf32>,
    return
  }
  func.func @transform_0(%arg0: i32) -> (i32, i32) {
    %c0_i32 = arith.constant 0 : i32
    %c0_i32_0 = arith.constant 0 : i32
    return %arg0, %c0_i32 : i32, i32
  }
  func.func @transform_1(%arg0: i32) -> (i32, i32) {
    %c0_i32 = arith.constant 0 : i32
    %c0_i32_0 = arith.constant 0 : i32
    return %arg0, %c0_i32 : i32, i32
  }
  func.func @transform_2(%arg0: i32) -> (i32, i32) {
    %c0_i32 = arith.constant 0 : i32
    %c0_i32_0 = arith.constant 0 : i32
    %c0_i32_1 = arith.constant 0 : i32
    return %c0_i32, %c0_i32_0 : i32, i32
  }
  func.func @transform_3(%arg0: i32) -> (i32, i32) {
    %c0_i32 = arith.constant 0 : i32
    %c0_i32_0 = arith.constant 0 : i32
    %c0_i32_1 = arith.constant 0 : i32
    return %c0_i32, %c0_i32_0 : i32, i32
  }
  func.func @transform_4(%arg0: i32) -> (i32, i32) {
    %c0_i32 = arith.constant 0 : i32
    %c0_i32_0 = arith.constant 0 : i32
    %c0_i32_1 = arith.constant 0 : i32
    return %c0_i32, %c0_i32_0 : i32, i32
  }
  func.func @transform_5(%arg0: i32) -> (i32, i32) {
    %c0_i32 = arith.constant 0 : i32
    %c0_i32_0 = arith.constant 0 : i32
    %c0_i32_1 = arith.constant 0 : i32
    return %c0_i32, %c0_i32_0 : i32, i32
  }
  func.func @transform_6(%arg0: i32) -> (i32, i32) {
    %c0_i32 = arith.constant 0 : i32
    %c0_i32_0 = arith.constant 0 : i32
    %c0_i32_1 = arith.constant 0 : i32
    return %c0_i32, %c0_i32_0 : i32, i32
  }
  func.func @transform_7(%arg0: i32) -> i32 {
    %c0_i32 = arith.constant 0 : i32
    return %arg0 : i32
  }
}

</mosaic_0001>

<sc_bundles>
// kernel: kernel.4.cloned.1.call-start
scs
__scs_entry_jumppad:
0x0: {  	(pc) =	sbr.rel $0x88, $3  }
0x1: {  	(tag) =	ssettag $0x0;
	lr =	simm.s32 $0x1  }
0x2: {  	[smem:$0x3F99] =	sst lr;
	_ =	strace $0xD0000000  }
0x3: {  	_ = 	snop  }
0x4: {  	_ = 	snop  }
0x5: {  	_ = 	snop  }
0x6: {  	_ = 	snop  }
0x7: {  	_ = 	snop  }
__scs_overlays_trampoline_lowered:
0x8: {  	[smem:$0x3FA8] =	sst s0  }
0x9: {  	[smem:$0x3FA9] =	sst s1  }
0xa: {  	[smem:$0x3FAA] =	sst s2  }
0xb: {  	[smem:$0x3FAB] =	sst s3  }
0xc: {  	[smem:$0x3FAC] =	sst s4  }
0xd: {  	[smem:$0x3FAD] =	sst s5  }
0xe: {  	[smem:$0x3FAE] =	sst s6  }
0xf: {  	[smem:$0x3FAF] =	sst s7  }
0x10: {  	[smem:$0x3FB0] =	sst s8  }
0x11: {  	[smem:$0x3FB1] =	sst s9;
	s0 =	simm.s32 @!p0 $0x0  }
0x12: {  	s1 =	sld [smem:$0x3F97];
	s0 =	simm.s32 @p0 $0x1  }
0x13: {  	[smem:$0x3FB2] =	sst s0;
	s0 =	simm.s32 @!p1 $0x0  }
0x14: {  	s2 =	sld [smem:$0x3F96];
	s0 =	simm.s32 @p1 $0x1  }
0x15: {  	[smem:$0x3FB3] =	sst s0;
	s0 =	simm.s32 @!p2 $0x0  }
0x16: {  	s3 =	sld [smem:$0x3FDB];
	s0 =	simm.s32 @p2 $0x1  }
0x17: {  	s4 =	simm.s32 $0x1BF5;
	[smem:$0x3FB5] =	sst s0  }
0x18: {  	s0 =	sld [smem:$0x3F98];
	_ =	swait.ge [sflag:s4], $0x0  }
0x19: {  	s7 =	sld [smem:$0x3F99]  }
0x1a: {  	s8 =	sadd.s32 $0xFFFFE003, lr  }
0x1b: {  	s9 =	sadd.s32 $0xFFFFFEF7, lr;
	s5 =	simm.s32 $0xFFFFFFFF;
	p2 =	slt.u32 s8, $0xFFFFF086  }
0x1c: {  	p1 =	slt.u32 s9, $0xF7A;
	s5 =	simm.s32 @!p2 $0x0  }
0x1d: {  	s5 =	simm.s32 @p1 $0x1;
	p0 =	seq.s32 s7, s2  }
0x1e: {  	s7 =	smul.u32 @!p0 $0xF7A, s2;
	p2 =	seq.s32 @!p0 s5, $0x0  }
0x1f: {  	s9 =	smul.u32 $0xF7A, s1;
	s8 =	simm.s32 @!p0 $0x1BF5;
	p2 =	por !p2, p0  }
0x20: {  	[sflag:s8] =	ssyncset.s32 @!p0 $0xFFFFF086;
	s6 =	sadd.s32 @!p0 s3, s7;
	s7 =	simm.s32 @!p0 $0x108  }
0x21: {  	s3 =	sadd.s32 s3, s9;
	s6 =	sadd.s32 @!p0 $0x88, s6;
	s7 =	simm.s32 @p2 $0x1082  }
0x22: {  	[simem:s7], [sflag:s8] =	dma.local @!p0 [hbm:s6], $0xF7A  }
0x23: {  	s9 =	sor.u32 $0xD0000000, s2;
	s6 =	simm.s32 $0x108;
	_ =	swait.ge @!p0 [sflag:s8], $0x0  }
0x24: {  	s3 =	sadd.s32 $0x88, s3;
	s6 =	simm.s32 @!p1 $0x1082;
	[sflag:s4] =	ssyncset.s32 $0xFFFFF086  }
0x25: {  	[simem:s6], [sflag:s4] =	dma.local [hbm:s3], $0xF7A  }
0x26: {  	[smem:$0x3F99] =	sst s1;
	(tag) =	ssettag s2;
	_ =	strace s9  }
0x27: {  	s1 =	sld [smem:$0x3FA9]  }
0x28: {  	s2 =	sld [smem:$0x3FAA]  }
0x29: {  	s4 =	sld [smem:$0x3FAC]  }
0x2a: {  	p0 =	seq.s32 s5, $0x0;
	s5 =	sld [smem:$0x3FAD]  }
0x2b: {  	s6 =	sld [smem:$0x3FAE]  }
0x2c: {  	s7 =	sld [smem:$0x3FAF]  }
0x2d: {  	s3 =	simm.s32 $0x108;
	s8 =	sld [smem:$0x3FB0]  }
0x2e: {  	s3 =	simm.s32 @!p0 $0x1082;
	s9 =	sld [smem:$0x3FB1]  }
0x2f: {  	lr =	sadd.s32 s0, s3;
	s0 =	sld [smem:$0x3FA8]  }
0x30: {  	s3 =	sld [smem:$0x3FAB]  }
0x31: {  	[smem:$0x3FB4] =	sst s10  }
0x32: {  	s10 =	sld [smem:$0x3FB2];
	_ =	sdelay $0x3  }
0x33: {  	p0 =	seq.s32 s10, $0x1;
	s10 =	sld [smem:$0x3FB4];
	_ =	sdelay $0x3  }
0x34: {  	[smem:$0x3FB4] =	sst s10  }
0x35: {  	s10 =	sld [smem:$0x3FB3];
	_ =	sdelay $0x3  }
0x36: {  	p1 =	seq.s32 s10, $0x1;
	s10 =	sld [smem:$0x3FB4];
	_ =	sdelay $0x3  }
0x37: {  	[smem:$0x3FB4] =	sst s10  }
0x38: {  	s10 =	sld [smem:$0x3FB5]  }
0x39: {  	_ = 	snop;
	(pc) =	sbr.ind lr, $3  }
0x3a: {  	_ = 	snop  }
0x3b: {  	_ = 	snop  }
0x3c: {  	p2 =	seq.s32 s10, $0x1;
	s10 =	sld [smem:$0x3FB4]  }
0x3d: {  	_ =	shalt  }
0x3e: {  	_ =	shalt  }
0x3f: {  	_ =	shalt  }
0x40: {  	_ =	shalt  }
0x41: {  	_ =	shalt  }
0x42: {  	_ =	shalt  }
0x43: {  	_ =	shalt  }
0x44: {  	_ =	shalt  }
0x45: {  	_ =	shalt  }
0x46: {  	_ =	shalt  }
0x47: {  	_ =	shalt  }
0x48: {  	_ =	shalt  }
0x49: {  	_ =	shalt  }
0x4a: {  	_ =	shalt  }
0x4b: {  	_ =	shalt  }
0x4c: {  	_ =	shalt  }
0x4d: {  	_ =	shalt  }
0x4e: {  	_ =	shalt  }
0x4f: {  	_ =	shalt  }
0x50: {  	_ =	shalt  }
0x51: {  	_ =	shalt  }
0x52: {  	_ =	shalt  }
0x53: {  	_ =	shalt  }
0x54: {  	_ =	shalt  }
0x55: {  	_ =	shalt  }
0x56: {  	_ =	shalt  }
0x57: {  	_ =	shalt  }
0x58: {  	_ =	shalt  }
0x59: {  	_ =	shalt  }
0x5a: {  	_ =	shalt  }
0x5b: {  	_ =	shalt  }
0x5c: {  	_ =	shalt  }
0x5d: {  	_ =	shalt  }
0x5e: {  	_ =	shalt  }
0x5f: {  	_ =	shalt  }
0x60: {  	_ =	shalt  }
0x61: {  	_ =	shalt  }
0x62: {  	_ =	shalt  }
0x63: {  	_ =	shalt  }
0x64: {  	_ =	shalt  }
0x65: {  	_ =	shalt  }
0x66: {  	_ =	shalt  }
0x67: {  	_ =	shalt  }
0x68: {  	_ =	shalt  }
0x69: {  	_ =	shalt  }
0x6a: {  	_ =	shalt  }
0x6b: {  	_ =	shalt  }
0x6c: {  	_ =	shalt  }
0x6d: {  	_ =	shalt  }
0x6e: {  	_ =	shalt  }
0x6f: {  	_ =	shalt  }
0x70: {  	_ =	shalt  }
0x71: {  	_ =	shalt  }
0x72: {  	_ =	shalt  }
0x73: {  	_ =	shalt  }
0x74: {  	_ =	shalt  }
0x75: {  	_ =	shalt  }
0x76: {  	_ =	shalt  }
0x77: {  	_ =	shalt  }
0x78: {  	_ =	shalt  }
0x79: {  	_ =	shalt  }
0x7a: {  	_ =	shalt  }
0x7b: {  	_ =	shalt  }
0x7c: {  	_ =	shalt  }
0x7d: {  	_ =	shalt  }
0x7e: {  	_ =	shalt  }
0x7f: {  	_ =	shalt  }
0x80: {  	_ =	shalt  }
0x81: {  	_ =	shalt  }
0x82: {  	_ =	shalt  }
0x83: {  	_ =	shalt  }
0x84: {  	_ =	shalt  }
0x85: {  	_ =	shalt  }
0x86: {  	_ =	shalt  }
0x87: {  	_ =	shalt  }
.Lfunc_end0:
.L_simem_size_0:
called_computation_lowered:
.L_overlay_start_0:
0x88: {  	s2 =	sld [smem:$0x3FD9]  }
0x89: {  	s3 =	sld [smem:$0x3FFE];
	_ =	sdelay $0x1  }
0x8a: {  	s1 =	srdreg.scid  }
0x8b: {  	s0 =	sand.u32 $0x1, s1  }
0x8c: {  	s17 =	sshll.u32 s0, $0xA;
	s2 =	sadd.s32 s3, s2  }
0x8d: {  	s2 =	sadd.s32 s2, s17  }
0x8e: {  	[smem:$0x3FC0] =	sst s2  }
0x8f: {  	_ = 	snop  }
0x90: {  	s2 =	sld [smem:$0x3FC9]  }
0x91: {  	s18 =	sld [smem:$0x3FC8]  }
0x92: {  	s4 =	sld [smem:$0x3FC7]  }
0x93: {  	s5 =	sld [smem:$0x3FC6];
	(tm) =	ssettm $0x1  }
0x94: {  	s6 =	sld [smem:$0x3FFB];
	_ =	sdelay $0x3  }
0x95: {  	_ =	strace s6  }
0x96: {  	s6 =	sld [smem:$0x3FFC];
	_ =	sdelay $0x3  }
0x97: {  	_ =	strace s6  }
0x98: {  	s6 =	sld [smem:$0x3FFD];
	_ =	sdelay $0x3  }
0x99: {  	_ =	strace s6  }
0x9a: {  	_ =	strace $0x8FFFFFFF  }
0x9b: {  	s19 =	sld [smem:$0x3FDB];
	_ =	sdelay $0x1  }
0x9c: {  	s7 =	simm.s32 $_scs_section_size  }
0x9d: {  	s8 =	simm.s32 $_size__tile_overlayer_lowered;
	s9 =	simm.s32 $_tile_overlayer_lowered  }
0x9e: {  	s22 =	simm.s32 $0x1BFF;
	s21 =	sshll.u32 s9, $0x1;
	s6 =	sadd.s32 s7, s19  }
0x9f: {  	s10 =	simm.s32 $0x0;
	s20 =	sshll.u32 s8, $0x1;
	s8 =	sadd.s32 s21, s6  }
0xa0: {  	[timem:s10], [sflag:s22] =	dma.local [hbm:s8], s20  }
0xa1: {  	_ =	swait.ge [sflag:s22], s20  }
0xa2: {  	s7 =	ssub.s32 $0x0, s20;
	[sflag:s22] =	ssyncset.done $0x0  }
0xa3: {  	[sflag:s22] =	ssyncadd.s32 s7;
	_ =	sdelay $0x1  }
0xa4: {  	s23 =	simm.s32 $0x1B8B  }
0xa5: {  	_ =	swait.ge [sflag:s23], $0x1  }
0xa6: {  	[sflag:s23] =	ssyncset.done $0x0  }
0xa7: {  	s25 =	simm.s32 $0x1B8E;
	s24 =	sld [smem:$0x3FFE];
	[sflag:s23] =	ssyncadd.s32 $0xFFFFFFFF  }
0xa8: {  	s26 =	simm.s32 $execute0_lowered;
	[smem:$0x3FD2] =	sst s25  }
0xa9: {  	s8 =	sshll.u32 s26, $0x1;
	_ =	strace $0x80000046;
	[dreg:$0x1] =	wrdreg $0xFFFFFFFF  }
0xaa: {  	s28 =	simm.s32 $_size_execute0_lowered;
	s6 =	sadd.s32 s6, s8;
	[dreg:$0x0] =	wrdreg $0x0  }
0xab: {  	s8 =	sshll.u32 s28, $0x1;
	[dreg:$0x2] =	wrdreg s6  }
0xac: {  	[dreg:$0x3] =	wrdreg s8  }
0xad: {  	[dreg:$0x4] =	wrdreg $0xC0  }
0xae: {  	_ =	task [dreg:s10], $0x5FFFF  }
0xaf: {  	[dreg:$0x1] =	wrdreg $0xFFFFFFFF  }
0xb0: {  	[dreg:$0x0] =	wrdreg $0x60  }
0xb1: {  	[dreg:$0x2] =	wrdreg s18  }
0xb2: {  	[dreg:$0x3] =	wrdreg s2  }
0xb3: {  	[dreg:$0x4] =	wrdreg s4  }
0xb4: {  	[dreg:$0x5] =	wrdreg s5  }
0xb5: {  	[dreg:$0x6] =	wrdreg s24  }
0xb6: {  	[dreg:$0x7] =	wrdreg $0x9  }
0xb7: {  	_ =	task.clear_ibuf [dreg:s10], $0x8FFFF;
	_ =	strace $0x90000046  }
0xb8: {  	s29 =	simm.s32 $0x9;
	_ =	strace $0x80000048  }
0xb9: {  	_ =	swait.ge [sflag:s29], $0x1  }
0xba: {  	[sflag:s29] =	ssyncadd.s32 $0xFFFFFFFF  }
0xbb: {  	_ =	strace $0x90000048  }
0xbc: {  	_ =	sfence  }
0xbd: {  	s30 =	sld [smem:$0x0];
	_ =	sdelay $0x2  }
0xbe: {  	s31 =	sshll.u32 s1, $0xD;
	s1 =	sshrl.u32 s1, $0x2  }
0xbf: {  	s3 =	sand.u32 $0x4000, s31;
	s1 =	sadd.s32 s1, s30  }
0xc0: {  	s0 =	sor.u32 s3, s0;
	s1 =	sshll.u32 s1, $0x11  }
0xc1: {  	s0 =	sor.u32 s1, s0  }
0xc2: {  	s0 =	sadd.s32 $0x8F2B, s0  }
0xc3: {  	[sflag:s0] =	ssyncadd.remote.s32 $0x1  }
0xc4: {  	_ =	sfence.sel $0xFFFF  }
0xc5: {  	[dreg:$0x0] =	wrdreg $0xFFFFFFFF;
	(pc) =	sbr.abs _section_cstart, $3  }
0xc6: {  	[dreg:$0x1] =	wrdreg $0xFFFFFFFF  }
0xc7: {  	_ =	task.clear_ibuf [dreg:s10], $0x2FFFF;
	_ =	strace $0x9FFFFFFF  }
0xc8: {  	(tm) =	ssettm $0x7FFFFFFF  }
0xc9: {  	_ =	shalt  }
tec
execute0_lowered:
.L_overlay_start_1:
0x0: {  	(tag) =	ssettag $0x1  }
0x1: {  	s5 =	rddreg [dreg:$0x0]  }
0x2: {  	s6 =	rddreg [dreg:$0x1];
	s2 =	srdreg.scid  }
0x3: {  	s1 =	rddreg [dreg:$0x2];
	s0 =	stileid.u32;
	s19 =	sand.u32 $0x1, s2  }
0x4: {  	s3 =	rddreg [dreg:$0x3];
	s7 =	sshll.u32 s0, $0xA;
	s8 =	sshll.u32 s19, $0x9  }
0x5: {  	s15 =	rddreg [dreg:$0x4];
	s4 =	simm.s32 $0x0;
	s13 =	sor.u32 s8, s7  }
0x6: {  	[smem:$0x7FF] =	sst s4;
	s7 =	sshrl.u32 s13, $0x3  }
0x7: {  	s2 =	rddreg [dreg:$0x5];
	_ =	strace $0x80000047;
	s5 =	sadd.s32 s5, s7  }
0x8: {  	[tilespmem:s4], [sflag:$0x1] =	stream.linear.gather [hbm4b:s5+s4], $0x200, $0x38;
	[tilespmem:$0x18400] =	vst v63  }
0x9: {  	s8 =	simm.s32 $0x1;
	s6 =	sadd.s32 s6, s7;
	s7 =	simm.s32 $0x200  }
0xa: {  	[tilespmem:s7], [sflag:$0x1] =	stream.linear.gather [hbm4b:s6+s4], $0x200, $0x38;
	[tilespmem:$0x18400] =	vst v63  }
0xb: {  	_ =	swait.ge [sflag:s8], $0x200  }
0xc: {  	[sflag:s8] =	ssyncset.done $0x0  }
0xd: {  	s9 =	simm.s32 $0x100;
	s10 =	simm.s32 $0x400;
	[sflag:s8] =	ssyncadd.s32 $0xFFFFFE00  }
0xe: {  	[tilespmem:s10], [sflag:$0x1] =	stream.indirect.gather [hbm4b:s1+s9], $0x80, s4, s9, $0xb8;
	[tilespmem:$0x18400] =	vst v63  }
0xf: {  	s11 =	simm.s32 $0x8400  }
0x10: {  	[tilespmem:s11], [sflag:$0x1] =	stream.indirect.gather [hbm4b:s1+s9], $0x80, s9, s9, $0xb8;
	[tilespmem:$0x18400] =	vst v63  }
0x11: {  	_ =	swait.ge [sflag:s8], $0x200  }
0x12: {  	[sflag:s8] =	ssyncset.done $0x0  }
0x13: {  	s12 =	simm.s32 $0x10400;
	[sflag:s8] =	ssyncadd.s32 $0xFFFFFE00  }
0x14: {  	[tilespmem:s12], [sflag:$0x1] =	stream.indirect.gather [hbm4b:s3+s9], $0x80, s7, s9, $0xb8;
	[tilespmem:$0x18400] =	vst v63  }
0x15: {  	_ =	swait.ge [sflag:s8], $0x8000  }
0x16: {  	s14 =	sadd.s32 $0x1400, s15;
	s16 =	sshll.u32 s13, $0x4;
	[sflag:s8] =	ssyncset.done $0x0  }
0x17: {  	s13 =	sadd.s32 s14, s16;
	[sflag:s8] =	ssyncadd.s32 $0xFFFF8000  }
0x18: {  	[hbm4b:s13+s4] =	stream.linear.scatter [tilespmem:s10], [sflag:$0x2], $0x8000, $0x38;
	[tilespmem:$0x18400] =	vst v63  }
0x19: {  	_ =	swait.ge [sflag:s8], $0x8000  }
0x1a: {  	s18 =	sor.u32 $0x1000, s16;
	[sflag:s8] =	ssyncset.done $0x0  }
0x1b: {  	s14 =	sadd.s32 s14, s18;
	[sflag:s8] =	ssyncadd.s32 $0xFFFF8000  }
0x1c: {  	[hbm4b:s14+s4] =	stream.linear.scatter [tilespmem:s11], [sflag:$0x2], $0x8000, $0x38;
	[tilespmem:$0x18400] =	vst v63  }
0x1d: {  	_ =	swait.ge [sflag:s8], $0x8000  }
0x1e: {  	s20 =	sadd.s32 $0x41400, s15;
	[sflag:s8] =	ssyncset.done $0x0  }
0x1f: {  	s15 =	simm.s32 $0x2;
	s16 =	sadd.s32 s20, s16;
	[sflag:s8] =	ssyncadd.s32 $0xFFFF8000  }
0x20: {  	[hbm4b:s16+s4] =	stream.linear.scatter [tilespmem:s12], [sflag:$0x2], $0x8000, $0x38;
	[tilespmem:$0x18400] =	vst v63  }
0x21: {  	_ =	swait.ge [sflag:s15], $0x8000  }
0x22: {  	[sflag:s15] =	ssyncset.done $0x0  }
0x23: {  	s17 =	simm.s32 $0x300;
	[sflag:s15] =	ssyncadd.s32 $0xFFFF8000  }
0x24: {  	[tilespmem:s10], [sflag:$0x1] =	stream.indirect.gather [hbm4b:s3+s9], $0x80, s17, s9, $0xb8;
	[tilespmem:$0x18400] =	vst v63  }
0x25: {  	_ =	swait.ge [sflag:s8], $0x8000  }
0x26: {  	s19 =	ssub.s32 $0x2, s19;
	[sflag:s8] =	ssyncset.done $0x0  }
0x27: {  	s31 =	sshrl.u32 s19, $0x1;
	s18 =	sadd.s32 s20, s18;
	[sflag:s8] =	ssyncadd.s32 $0xFFFF8000  }
0x28: {  	[hbm4b:s18+s4] =	stream.linear.scatter [tilespmem:s10], [sflag:$0x2], $0x8000, $0x38;
	[tilespmem:$0x18400] =	vst v63  }
0x29: {  	s19 =	ssub.s32 s19, s31;
	_ =	swait.ge [sflag:s15], $0x8000  }
0x2a: {  	s19 =	smax.u32 s19, $0x1;
	[sflag:s15] =	ssyncset.done $0x0  }
0x2b: {  	p0 =	sne.s32 s19, $0x1;
	[sflag:s15] =	ssyncadd.s32 $0xFFFF8000  }
.Ltmp0:
0x2c: {  	_ =	swait.ge [sflag:s15], $0x8000;
	(pc) =	sbr.rel @!p0 .LBB2_2-.Ltmp0, $4  }
0x2d: {  	[sflag:s15] =	ssyncset.done $0x0  }
0x2e: {  	[sflag:s15] =	ssyncadd.s32 $0xFFFF8000  }
0x2f: {  	_ =	swait.ge [sflag:s15], $0x8000  }
0x30: {  	s19 =	sadd.s32 $0xFFFFFFFF, s19;
	[sflag:s15] =	ssyncset.done $0x0  }
.LBB2_1:
0x31: {  	p0 =	sne.s32 s19, $0x1;
	s19 =	sadd.s32 $0xFFFFFFFF, s19;
	[sflag:s15] =	ssyncadd.s32 $0xFFFF8000  }
0x32: {  	[tilespmem:s4], [sflag:$0x1] =	stream.linear.gather [hbm4b:s5+s4], $0x200, $0x38;
	[tilespmem:$0x18400] =	vst v63  }
0x33: {  	_ = 	snop  }
0x34: {  	[tilespmem:s7], [sflag:$0x1] =	stream.linear.gather [hbm4b:s6+s4], $0x200, $0x38;
	[tilespmem:$0x18400] =	vst v63  }
0x35: {  	_ =	swait.ge [sflag:s8], $0x200  }
0x36: {  	[sflag:s8] =	ssyncset.done $0x0  }
0x37: {  	[sflag:s8] =	ssyncadd.s32 $0xFFFFFE00  }
0x38: {  	[tilespmem:s10], [sflag:$0x1] =	stream.indirect.gather [hbm4b:s1+s9], $0x80, s4, s9, $0xb8;
	[tilespmem:$0x18400] =	vst v63  }
0x39: {  	_ = 	snop  }
0x3a: {  	[tilespmem:s11], [sflag:$0x1] =	stream.indirect.gather [hbm4b:s1+s9], $0x80, s9, s9, $0xb8;
	[tilespmem:$0x18400] =	vst v63  }
0x3b: {  	_ =	swait.ge [sflag:s8], $0x200  }
0x3c: {  	[sflag:s8] =	ssyncset.done $0x0  }
0x3d: {  	[sflag:s8] =	ssyncadd.s32 $0xFFFFFE00  }
0x3e: {  	[tilespmem:s12], [sflag:$0x1] =	stream.indirect.gather [hbm4b:s3+s9], $0x80, s7, s9, $0xb8;
	[tilespmem:$0x18400] =	vst v63  }
0x3f: {  	_ =	swait.ge [sflag:s8], $0x8000  }
0x40: {  	[sflag:s8] =	ssyncset.done $0x0  }
0x41: {  	[sflag:s8] =	ssyncadd.s32 $0xFFFF8000  }
0x42: {  	[hbm4b:s13+s4] =	stream.linear.scatter [tilespmem:s10], [sflag:$0x2], $0x8000, $0x38;
	[tilespmem:$0x18400] =	vst v63  }
0x43: {  	_ =	swait.ge [sflag:s8], $0x8000  }
0x44: {  	[sflag:s8] =	ssyncset.done $0x0  }
0x45: {  	[sflag:s8] =	ssyncadd.s32 $0xFFFF8000  }
0x46: {  	[hbm4b:s14+s4] =	stream.linear.scatter [tilespmem:s11], [sflag:$0x2], $0x8000, $0x38;
	[tilespmem:$0x18400] =	vst v63  }
0x47: {  	_ =	swait.ge [sflag:s8], $0x8000  }
0x48: {  	[sflag:s8] =	ssyncset.done $0x0  }
0x49: {  	[sflag:s8] =	ssyncadd.s32 $0xFFFF8000  }
0x4a: {  	[hbm4b:s16+s4] =	stream.linear.scatter [tilespmem:s12], [sflag:$0x2], $0x8000, $0x38;
	[tilespmem:$0x18400] =	vst v63  }
0x4b: {  	_ =	swait.ge [sflag:s15], $0x8000  }
0x4c: {  	[sflag:s15] =	ssyncset.done $0x0  }
0x4d: {  	[sflag:s15] =	ssyncadd.s32 $0xFFFF8000  }
0x4e: {  	[tilespmem:s10], [sflag:$0x1] =	stream.indirect.gather [hbm4b:s3+s9], $0x80, s17, s9, $0xb8;
	[tilespmem:$0x18400] =	vst v63  }
0x4f: {  	_ =	swait.ge [sflag:s8], $0x8000  }
0x50: {  	[sflag:s8] =	ssyncset.done $0x0  }
0x51: {  	[sflag:s8] =	ssyncadd.s32 $0xFFFF8000  }
0x52: {  	[hbm4b:s18+s4] =	stream.linear.scatter [tilespmem:s10], [sflag:$0x2], $0x8000, $0x38;
	[tilespmem:$0x18400] =	vst v63  }
0x53: {  	_ =	swait.ge [sflag:s15], $0x8000  }
0x54: {  	[sflag:s15] =	ssyncset.done $0x0  }
0x55: {  	[sflag:s15] =	ssyncadd.s32 $0xFFFF8000  }
.Ltmp1:
0x56: {  	_ =	swait.ge [sflag:s15], $0x8000;
	(pc) =	sbr.rel @p0 .LBB2_1-.Ltmp1, $4  }
0x57: {  	[sflag:s15] =	ssyncset.done $0x0  }
0x58: {  	[sflag:s15] =	ssyncadd.s32 $0xFFFF8000  }
0x59: {  	_ =	swait.ge [sflag:s15], $0x8000  }
0x5a: {  	[sflag:s15] =	ssyncset.done $0x0  }
.LBB2_2:
0x5b: {  	[sflag:s15] =	ssyncadd.s32 $0xFFFF8000  }
0x5c: {  	_ =	sfence.sel $0x180000  }
0x5d: {  	[bflag:$0x0] =	sbarrier.arrive $0xFFFF  }
0x5e: {  	p0 =	sne.s32 s0, $0x0;
	_ =	strace $0x90000047  }
0x5f: {  	s0 =	sadd.s32 @!p0 $0x100000, s2;
	[bflag:$0x2] =	sbarrier.arrive $0xFFFF  }
0x60: {  	[sflag:s0] =	ssyncadd.tile.s32 @!p0 $0x1;
	_ =	shalt  }
.Lfunc_end2:
_tile_overlayer_lowered:
.L_overlay_start_2:
0x61: {  	(tag) =	ssettag $0x2  }
0x62: {  	s0 =	rddreg [dreg:$0x0];
	s2 =	stileid.u32  }
0x63: {  	s1 =	rddreg [dreg:$0x1];
	p0 =	sne.s32 s2, $0x0  }
0x64: {  	s3 =	rddreg [dreg:$0x2];
	[bflag:$0x3] =	sbarrier.arrive $0xFFFF;
	s2 =	simm.s32 @!p0 $0x1C03  }
0x65: {  	[timem:s3], [sflag:s2] =	dma.local @!p0 [hbm:s0], s1  }
0x66: {  	s0 =	simm.s32 @!p0 $0x3  }
0x67: {  	_ =	swait.ge @!p0 [sflag:s0], s1  }
0x68: {  	s1 =	ssub.s32 @!p0 $0x0, s1;
	[sflag:s0] =	ssyncset.done @!p0 $0x0  }
0x69: {  	[sflag:s0] =	ssyncadd.s32 @!p0 s1  }
0x6a: {  	[bflag:$0x3] =	sbarrier.arrive $0xFFFF  }
0x6b: {  	_ =	shalt  }

</sc_bundles>
